<compile_context>
chip_gen: v7x
topology: tpu7x:2x2x1
jax: 0.10.2.dev20260603
libtpu: 0.0.44.dev20260713+nightly
codegen_flags: <defaults>
</compile_context>

<pallas_src>
import functools

import jax
import jax.numpy as jnp
from jax import lax
from jax.experimental import pallas as pl
from jax.experimental.pallas import tpu as pltpu
from jax.experimental.pallas import tpu_sc as plsc

VOCAB = 100000
D = 128
BATCH = 1024
SEQ = 200
B = BATCH * SEQ

NC = 2
NS = 16
NW = NC * NS
B_PER_W = B // NW
CHUNK = 128
N_CHUNK = B_PER_W // CHUNK
NBUF = 6
LOOKAHEAD = 3

_mesh = plsc.VectorSubcoreMesh(core_axis_name="c", subcore_axis_name="s")


@functools.partial(
    pl.kernel,
    mesh=_mesh,
    out_type=jax.ShapeDtypeStruct((B, D), jnp.float32),
    scratch_types=[
        pltpu.VMEM((N_CHUNK, CHUNK), jnp.int32),
        pltpu.VMEM((NBUF, CHUNK, D), jnp.float32),
        pltpu.SemaphoreType.DMA((NBUF,)),
        pltpu.SemaphoreType.DMA((NBUF,)),
    ],
)
def _gather_kernel(idx_hbm, table_hbm, out_hbm, idx_v, rows_v, gsems, ssems):
    wid = lax.axis_index("s") * NC + lax.axis_index("c")
    base = wid * B_PER_W
    pltpu.sync_copy(idx_hbm.at[wid], idx_v)

    def gather(j, p):
        return pltpu.make_async_copy(
            table_hbm.at[idx_v.at[j]], rows_v.at[p], gsems.at[p])

    def store(j, p):
        return pltpu.make_async_copy(
            rows_v.at[p], out_hbm.at[pl.ds(base + j * CHUNK, CHUNK)],
            ssems.at[p])

    for k in range(LOOKAHEAD):
        gather(k, k).start()

    def step(j, carry):
        p = j % NBUF
        gather(j, p).wait()
        store(j, p).start()

        nxt = j + LOOKAHEAD

        @pl.when(nxt < N_CHUNK)
        def _():
            q = nxt % NBUF

            @pl.when(nxt >= NBUF)
            def _():
                store(nxt - NBUF, q).wait()

            gather(nxt, q).start()

        return carry

    lax.fori_loop(0, N_CHUNK, step, 0)

    for t in range(N_CHUNK - NBUF, N_CHUNK):
        store(t, t % NBUF).wait()


def kernel(inputs, wte):
    idx = inputs.reshape(NW, N_CHUNK, CHUNK).astype(jnp.int32)
    out = _gather_kernel(idx, wte)
    return out.reshape(BATCH, SEQ, D)

# --- scband reference (transcript-rebuilt; emitter-appended) ---
"""Pipeline reference for scband-fernando-gpt-7404523618472 (READ-ONLY COPY).

The authoritative reference and input builder live on the scoring server;
editing this copy changes nothing except your own understanding.
"""

import jax, jax.numpy as jnp
import numpy as np

VOCAB = 100000
D_MODEL = 128
BATCH = 1024
SEQ = 200

def setup_inputs(seed: int = 0) -> dict:
    key = jax.random.key(seed)
    k1, k2 = jax.random.split(key)
    inputs = jax.random.randint(k1, (BATCH, SEQ), 0, VOCAB, dtype=jnp.int64 if jax.config.jax_enable_x64 else jnp.int32)
    wte = jax.random.normal(k2, (VOCAB, D_MODEL), dtype=jnp.float32) * 0.02
    return {"inputs": inputs, "wte": wte}

def reference(inputs, wte):
    # FernandoGPT.forward with targets=None: logits = wte(inputs), loss = None
    logits = jnp.take(wte, inputs, axis=0)
    return logits

if __name__ == "__main__":
    import jax
    _d = setup_inputs()
    print(jax.jit(kernel)(*tuple(_d.values())))

</pallas_src>

<mosaic_0001>
#map = affine_map<(d0, d1) -> (0, 0, 0)>
#map1 = affine_map<(d0, d1) -> (0, 0)>
module attributes {stable_mosaic.version = 14 : i64} {
  func.func @_gather_kernel(%arg0: i32, %arg1: i32, %arg2: memref<32x50x128xi32, #tpu.memory_space<hbm>>, %arg3: memref<100000x128xf32, #tpu.memory_space<hbm>>, %arg4: memref<204800x128xf32, #tpu.memory_space<hbm>>, %arg5: memref<50x128xi32, #tpu.memory_space<vmem>>, %arg6: memref<6x128x128xf32, #tpu.memory_space<vmem>>, %arg7: memref<6x!tpu.dma_semaphore, #tpu.memory_space<semaphore_mem>>, %arg8: memref<6x!tpu.dma_semaphore, #tpu.memory_space<semaphore_mem>>) attributes {dimension_semantics = [#tpu.dimension_semantics<core_parallel>, #tpu.dimension_semantics<subcore_parallel>], iteration_bounds = array<i64: 2, 16>, scalar_prefetch = 0 : i64, scratch_operands = 4 : i64, tpu.core_type = #tpu.core_type<sc_vector_subcore>, window_params = [{transform_indices = #map}, {transform_indices = #map1}, {transform_indices = #map1}]} {
    %mul3A = arith.constant 2 : i32
    %mul3A_0 = arith.muli %arg1, %mul3A : i32
    %add3A = arith.addi %mul3A_0, %arg0 : i32
    %mul3A_1 = arith.constant 6400 : i32
    %mul3A_2 = arith.muli %add3A, %mul3A_1 : i32
    "tpu.region"() ({
      %run_scoped3A = tpu.sem_alloc : memref<!tpu.dma_semaphore, #tpu.memory_space<semaphore_mem>>
      %dma_start3A_159 = arith.constant 0 : i32
      %dma_start3A_160 = arith.constant 0 : i32
      %dma_start3A_161 = tpu.memref_slice %arg2[%add3A, %dma_start3A_159, %dma_start3A_160] : memref<32x50x128xi32, #tpu.memory_space<hbm>> -> memref<1x50x128xi32, #tpu.memory_space<hbm>>
      %dma_start3A_162 = tpu.memref_squeeze %dma_start3A_161 : memref<1x50x128xi32, #tpu.memory_space<hbm>> -> memref<50x128xi32, #tpu.memory_space<hbm>>
      %dma_start3A_163 = arith.constant 0 : i32
      %dma_start3A_164 = arith.constant 0 : i32
      %dma_start3A_165 = tpu.memref_slice %arg2[%add3A, %dma_start3A_163, %dma_start3A_164] : memref<32x50x128xi32, #tpu.memory_space<hbm>> -> memref<1x50x128xi32, #tpu.memory_space<hbm>>
      %dma_start3A_166 = tpu.memref_squeeze %dma_start3A_165 : memref<1x50x128xi32, #tpu.memory_space<hbm>> -> memref<50x128xi32, #tpu.memory_space<hbm>>
      tpu.enqueue_dma source(%dma_start3A_166 : memref<50x128xi32, #tpu.memory_space<hbm>>) target(%arg5 : memref<50x128xi32, #tpu.memory_space<vmem>>) target_semaphore(%run_scoped3A : memref<!tpu.dma_semaphore, #tpu.memory_space<semaphore_mem>>)
      %dma_wait3A_167 = arith.constant 0 : i32
      %dma_wait3A_168 = arith.constant 0 : i32
      %dma_wait3A_169 = tpu.memref_slice %arg2[%add3A, %dma_wait3A_167, %dma_wait3A_168] : memref<32x50x128xi32, #tpu.memory_space<hbm>> -> memref<1x50x128xi32, #tpu.memory_space<hbm>>
      %dma_wait3A_170 = tpu.memref_squeeze %dma_wait3A_169 : memref<1x50x128xi32, #tpu.memory_space<hbm>> -> memref<50x128xi32, #tpu.memory_space<hbm>>
      %dma_wait3A_171 = arith.constant 0 : i32
      %dma_wait3A_172 = arith.constant 0 : i32
      %dma_wait3A_173 = tpu.memref_slice %arg2[%add3A, %dma_wait3A_171, %dma_wait3A_172] : memref<32x50x128xi32, #tpu.memory_space<hbm>> -> memref<1x50x128xi32, #tpu.memory_space<hbm>>
      %dma_wait3A_174 = tpu.memref_squeeze %dma_wait3A_173 : memref<1x50x128xi32, #tpu.memory_space<hbm>> -> memref<50x128xi32, #tpu.memory_space<hbm>>
      tpu.wait_dma2 semaphore(%run_scoped3A : memref<!tpu.dma_semaphore, #tpu.memory_space<semaphore_mem>>) src(%dma_wait3A_174 : memref<50x128xi32, #tpu.memory_space<hbm>>) dst(%arg5 : memref<50x128xi32, #tpu.memory_space<vmem>>)
      tpu.yield
    }) : () -> ()
    %dma_start3A = arith.constant 0 : i32
    %dma_start3A_3 = arith.constant 0 : i32
    %dma_start3A_4 = arith.constant 0 : i32
    %dma_start3A_5 = arith.constant 0 : i32
    %dma_start3A_6 = arith.constant 0 : i32
    %dma_start3A_7 = tpu.memref_slice %arg6[%dma_start3A_3, %dma_start3A_5, %dma_start3A_6] : memref<6x128x128xf32, #tpu.memory_space<vmem>> -> memref<1x128x128xf32, #tpu.memory_space<vmem>>
    %dma_start3A_8 = tpu.memref_squeeze %dma_start3A_7 : memref<1x128x128xf32, #tpu.memory_space<vmem>> -> memref<128x128xf32, #tpu.memory_space<vmem>>
    %dma_start3A_9 = arith.constant 0 : i32
    %dma_start3A_10 = tpu.memref_slice %arg5[%dma_start3A, %dma_start3A_9] : memref<50x128xi32, #tpu.memory_space<vmem>> -> memref<1x128xi32, #tpu.memory_space<vmem>>
    %dma_start3A_11 = tpu.memref_squeeze %dma_start3A_10 : memref<1x128xi32, #tpu.memory_space<vmem>> -> memref<128xi32, #tpu.memory_space<vmem>>
    %dma_start3A_12 = arith.constant 0 : i32
    %dma_start3A_13 = arith.constant 0 : i32
    %dma_start3A_14 = tpu.memref_slice %arg3[%dma_start3A_12, %dma_start3A_13] : memref<100000x128xf32, #tpu.memory_space<hbm>> -> memref<100000x128xf32, #tpu.memory_space<hbm>>
    %dma_start3A_15 = tpu.memref_slice %arg7[%dma_start3A_4] : memref<6x!tpu.dma_semaphore, #tpu.memory_space<semaphore_mem>> -> memref<1x!tpu.dma_semaphore, #tpu.memory_space<semaphore_mem>>
    %dma_start3A_16 = tpu.memref_squeeze %dma_start3A_15 : memref<1x!tpu.dma_semaphore, #tpu.memory_space<semaphore_mem>> -> memref<!tpu.dma_semaphore, #tpu.memory_space<semaphore_mem>>
    tpu.enqueue_indirect_dma source(%dma_start3A_14 : memref<100000x128xf32, #tpu.memory_space<hbm>>) target(%dma_start3A_8 : memref<128x128xf32, #tpu.memory_space<vmem>>) offsets(%dma_start3A_11 : memref<128xi32, #tpu.memory_space<vmem>>) semaphore(%dma_start3A_16 : memref<!tpu.dma_semaphore, #tpu.memory_space<semaphore_mem>>)
    %dma_start3A_17 = arith.constant 1 : i32
    %dma_start3A_18 = arith.constant 1 : i32
    %dma_start3A_19 = arith.constant 1 : i32
    %dma_start3A_20 = arith.constant 0 : i32
    %dma_start3A_21 = arith.constant 0 : i32
    %dma_start3A_22 = tpu.memref_slice %arg6[%dma_start3A_18, %dma_start3A_20, %dma_start3A_21] : memref<6x128x128xf32, #tpu.memory_space<vmem>> -> memref<1x128x128xf32, #tpu.memory_space<vmem>>
    %dma_start3A_23 = tpu.memref_squeeze %dma_start3A_22 : memref<1x128x128xf32, #tpu.memory_space<vmem>> -> memref<128x128xf32, #tpu.memory_space<vmem>>
    %dma_start3A_24 = arith.constant 0 : i32
    %dma_start3A_25 = tpu.memref_slice %arg5[%dma_start3A_17, %dma_start3A_24] : memref<50x128xi32, #tpu.memory_space<vmem>> -> memref<1x128xi32, #tpu.memory_space<vmem>>
    %dma_start3A_26 = tpu.memref_squeeze %dma_start3A_25 : memref<1x128xi32, #tpu.memory_space<vmem>> -> memref<128xi32, #tpu.memory_space<vmem>>
    %dma_start3A_27 = arith.constant 0 : i32
    %dma_start3A_28 = arith.constant 0 : i32
    %dma_start3A_29 = tpu.memref_slice %arg3[%dma_start3A_27, %dma_start3A_28] : memref<100000x128xf32, #tpu.memory_space<hbm>> -> memref<100000x128xf32, #tpu.memory_space<hbm>>
    %dma_start3A_30 = tpu.memref_slice %arg7[%dma_start3A_19] : memref<6x!tpu.dma_semaphore, #tpu.memory_space<semaphore_mem>> -> memref<1x!tpu.dma_semaphore, #tpu.memory_space<semaphore_mem>>
    %dma_start3A_31 = tpu.memref_squeeze %dma_start3A_30 : memref<1x!tpu.dma_semaphore, #tpu.memory_space<semaphore_mem>> -> memref<!tpu.dma_semaphore, #tpu.memory_space<semaphore_mem>>
    tpu.enqueue_indirect_dma source(%dma_start3A_29 : memref<100000x128xf32, #tpu.memory_space<hbm>>) target(%dma_start3A_23 : memref<128x128xf32, #tpu.memory_space<vmem>>) offsets(%dma_start3A_26 : memref<128xi32, #tpu.memory_space<vmem>>) semaphore(%dma_start3A_31 : memref<!tpu.dma_semaphore, #tpu.memory_space<semaphore_mem>>)
    %dma_start3A_32 = arith.constant 2 : i32
    %dma_start3A_33 = arith.constant 2 : i32
    %dma_start3A_34 = arith.constant 2 : i32
    %dma_start3A_35 = arith.constant 0 : i32
    %dma_start3A_36 = arith.constant 0 : i32
    %dma_start3A_37 = tpu.memref_slice %arg6[%dma_start3A_33, %dma_start3A_35, %dma_start3A_36] : memref<6x128x128xf32, #tpu.memory_space<vmem>> -> memref<1x128x128xf32, #tpu.memory_space<vmem>>
    %dma_start3A_38 = tpu.memref_squeeze %dma_start3A_37 : memref<1x128x128xf32, #tpu.memory_space<vmem>> -> memref<128x128xf32, #tpu.memory_space<vmem>>
    %dma_start3A_39 = arith.constant 0 : i32
    %dma_start3A_40 = tpu.memref_slice %arg5[%dma_start3A_32, %dma_start3A_39] : memref<50x128xi32, #tpu.memory_space<vmem>> -> memref<1x128xi32, #tpu.memory_space<vmem>>
    %dma_start3A_41 = tpu.memref_squeeze %dma_start3A_40 : memref<1x128xi32, #tpu.memory_space<vmem>> -> memref<128xi32, #tpu.memory_space<vmem>>
    %dma_start3A_42 = arith.constant 0 : i32
    %dma_start3A_43 = arith.constant 0 : i32
    %dma_start3A_44 = tpu.memref_slice %arg3[%dma_start3A_42, %dma_start3A_43] : memref<100000x128xf32, #tpu.memory_space<hbm>> -> memref<100000x128xf32, #tpu.memory_space<hbm>>
    %dma_start3A_45 = tpu.memref_slice %arg7[%dma_start3A_34] : memref<6x!tpu.dma_semaphore, #tpu.memory_space<semaphore_mem>> -> memref<1x!tpu.dma_semaphore, #tpu.memory_space<semaphore_mem>>
    %dma_start3A_46 = tpu.memref_squeeze %dma_start3A_45 : memref<1x!tpu.dma_semaphore, #tpu.memory_space<semaphore_mem>> -> memref<!tpu.dma_semaphore, #tpu.memory_space<semaphore_mem>>
    tpu.enqueue_indirect_dma source(%dma_start3A_44 : memref<100000x128xf32, #tpu.memory_space<hbm>>) target(%dma_start3A_38 : memref<128x128xf32, #tpu.memory_space<vmem>>) offsets(%dma_start3A_41 : memref<128xi32, #tpu.memory_space<vmem>>) semaphore(%dma_start3A_46 : memref<!tpu.dma_semaphore, #tpu.memory_space<semaphore_mem>>)
    %scan3A = arith.constant 0 : i32
    %scan3A_47 = arith.constant 0 : i32
    %scan3A_48 = arith.constant 50 : i32
    %scan3A_49 = arith.addi %scan3A_47, %scan3A_48 : i32
    %scan3A_50 = arith.constant 1 : i32
    scf.for %scan3A_159 = %scan3A_47 to %scan3A_49 step %scan3A_50  : i32 {
      %jit3A = arith.constant 6 : i32
      %eq3A = arith.constant 0 : i32
      %eq3A_160 = arith.cmpi eq, %jit3A, %eq3A : i32
      %jit3A_161 = arith.constant 1 : i32
      %select_n3A = arith.select %eq3A_160, %jit3A_161, %jit3A : i32
      %rem3A = arith.remsi %scan3A_159, %select_n3A : i32
      %ne3A = arith.constant 0 : i32
      %ne3A_162 = arith.cmpi ne, %rem3A, %ne3A : i32
      %lt3A = arith.constant 0 : i32
      %lt3A_163 = arith.cmpi slt, %rem3A, %lt3A : i32
      %lt3A_164 = arith.constant 0 : i32
      %lt3A_165 = arith.cmpi slt, %select_n3A, %lt3A_164 : i32
      %ne3A_166 = arith.xori %lt3A_163, %lt3A_165 : i1
      %and3A = arith.andi %ne3A_166, %ne3A_162 : i1
      %add3A_167 = arith.addi %rem3A, %select_n3A : i32
      %select_n3A_168 = arith.select %and3A, %add3A_167, %rem3A : i32
      %dma_wait3A_169 = arith.constant 0 : i32
      %dma_wait3A_170 = arith.constant 0 : i32
      %dma_wait3A_171 = tpu.memref_slice %arg6[%select_n3A_168, %dma_wait3A_169, %dma_wait3A_170] : memref<6x128x128xf32, #tpu.memory_space<vmem>> -> memref<1x128x128xf32, #tpu.memory_space<vmem>>
      %dma_wait3A_172 = tpu.memref_squeeze %dma_wait3A_171 : memref<1x128x128xf32, #tpu.memory_space<vmem>> -> memref<128x128xf32, #tpu.memory_space<vmem>>
      %dma_wait3A_173 = arith.constant 0 : i32
      %dma_wait3A_174 = tpu.memref_slice %arg5[%scan3A_159, %dma_wait3A_173] : memref<50x128xi32, #tpu.memory_space<vmem>> -> memref<1x128xi32, #tpu.memory_space<vmem>>
      %dma_wait3A_175 = tpu.memref_squeeze %dma_wait3A_174 : memref<1x128xi32, #tpu.memory_space<vmem>> -> memref<128xi32, #tpu.memory_space<vmem>>
      %dma_wait3A_176 = arith.constant 0 : i32
      %dma_wait3A_177 = arith.constant 0 : i32
      %dma_wait3A_178 = tpu.memref_slice %arg3[%dma_wait3A_176, %dma_wait3A_177] : memref<100000x128xf32, #tpu.memory_space<hbm>> -> memref<100000x128xf32, #tpu.memory_space<hbm>>
      %dma_wait3A_179 = tpu.memref_slice %arg7[%select_n3A_168] : memref<6x!tpu.dma_semaphore, #tpu.memory_space<semaphore_mem>> -> memref<1x!tpu.dma_semaphore, #tpu.memory_space<semaphore_mem>>
      %dma_wait3A_180 = tpu.memref_squeeze %dma_wait3A_179 : memref<1x!tpu.dma_semaphore, #tpu.memory_space<semaphore_mem>> -> memref<!tpu.dma_semaphore, #tpu.memory_space<semaphore_mem>>
      tpu.wait_indirect_dma semaphore(%dma_wait3A_180 : memref<!tpu.dma_semaphore, #tpu.memory_space<semaphore_mem>>) src(%dma_wait3A_178 : memref<100000x128xf32, #tpu.memory_space<hbm>>) dst(%dma_wait3A_172 : memref<128x128xf32, #tpu.memory_space<vmem>>)
      %mul3A_181 = arith.constant 128 : i32
      %mul3A_182 = arith.muli %scan3A_159, %mul3A_181 : i32
      %add3A_183 = arith.addi %mul3A_2, %mul3A_182 : i32
      %dma_start3A_184 = arith.constant 0 : i32
      %dma_start3A_185 = arith.constant 0 : i32
      %dma_start3A_186 = tpu.memref_slice %arg6[%select_n3A_168, %dma_start3A_184, %dma_start3A_185] : memref<6x128x128xf32, #tpu.memory_space<vmem>> -> memref<1x128x128xf32, #tpu.memory_space<vmem>>
      %dma_start3A_187 = tpu.memref_squeeze %dma_start3A_186 : memref<1x128x128xf32, #tpu.memory_space<vmem>> -> memref<128x128xf32, #tpu.memory_space<vmem>>
      %dma_start3A_188 = arith.constant 0 : i32
      %dma_start3A_189 = tpu.memref_slice %arg4[%add3A_183, %dma_start3A_188] : memref<204800x128xf32, #tpu.memory_space<hbm>> -> memref<128x128xf32, #tpu.memory_space<hbm>>
      %dma_start3A_190 = tpu.memref_slice %arg8[%select_n3A_168] : memref<6x!tpu.dma_semaphore, #tpu.memory_space<semaphore_mem>> -> memref<1x!tpu.dma_semaphore, #tpu.memory_space<semaphore_mem>>
      %dma_start3A_191 = tpu.memref_squeeze %dma_start3A_190 : memref<1x!tpu.dma_semaphore, #tpu.memory_space<semaphore_mem>> -> memref<!tpu.dma_semaphore, #tpu.memory_space<semaphore_mem>>
      %dma_start3A_192 = arith.constant 0 : i32
      %dma_start3A_193 = tpu.memref_slice %arg4[%add3A_183, %dma_start3A_192] : memref<204800x128xf32, #tpu.memory_space<hbm>> -> memref<128x128xf32, #tpu.memory_space<hbm>>
      %dma_start3A_194 = arith.constant 0 : i32
      %dma_start3A_195 = arith.constant 0 : i32
      %dma_start3A_196 = tpu.memref_slice %arg6[%select_n3A_168, %dma_start3A_194, %dma_start3A_195] : memref<6x128x128xf32, #tpu.memory_space<vmem>> -> memref<1x128x128xf32, #tpu.memory_space<vmem>>
      %dma_start3A_197 = tpu.memref_squeeze %dma_start3A_196 : memref<1x128x128xf32, #tpu.memory_space<vmem>> -> memref<128x128xf32, #tpu.memory_space<vmem>>
      tpu.enqueue_dma source(%dma_start3A_197 : memref<128x128xf32, #tpu.memory_space<vmem>>) target(%dma_start3A_193 : memref<128x128xf32, #tpu.memory_space<hbm>>) target_semaphore(%dma_start3A_191 : memref<!tpu.dma_semaphore, #tpu.memory_space<semaphore_mem>>)
      %add3A_198 = arith.constant 3 : i32
      %add3A_199 = arith.addi %scan3A_159, %add3A_198 : i32
      %lt3A_200 = arith.constant 50 : i32
      %lt3A_201 = arith.cmpi slt, %add3A_199, %lt3A_200 : i32
      %convert_element_type3A = arith.extui %lt3A_201 : i1 to i32
      %cond3A = arith.constant 0 : i32
      %cond3A_202 = arith.cmpi ne, %convert_element_type3A, %cond3A : i32
      scf.if %cond3A_202 {
        %jit3A_203 = arith.constant 6 : i32
        %eq3A_204 = arith.constant 0 : i32
        %eq3A_205 = arith.cmpi eq, %jit3A_203, %eq3A_204 : i32
        %jit3A_206 = arith.constant 1 : i32
        %select_n3A_207 = arith.select %eq3A_205, %jit3A_206, %jit3A_203 : i32
        %rem3A_208 = arith.remsi %add3A_199, %select_n3A_207 : i32
        %ne3A_209 = arith.constant 0 : i32
        %ne3A_210 = arith.cmpi ne, %rem3A_208, %ne3A_209 : i32
        %lt3A_211 = arith.constant 0 : i32
        %lt3A_212 = arith.cmpi slt, %rem3A_208, %lt3A_211 : i32
        %lt3A_213 = arith.constant 0 : i32
        %lt3A_214 = arith.cmpi slt, %select_n3A_207, %lt3A_213 : i32
        %ne3A_215 = arith.xori %lt3A_212, %lt3A_214 : i1
        %and3A_216 = arith.andi %ne3A_215, %ne3A_210 : i1
        %add3A_217 = arith.addi %rem3A_208, %select_n3A_207 : i32
        %select_n3A_218 = arith.select %and3A_216, %add3A_217, %rem3A_208 : i32
        %ge3A = arith.constant 6 : i32
        %ge3A_219 = arith.cmpi sge, %add3A_199, %ge3A : i32
        %convert_element_type3A_220 = arith.extui %ge3A_219 : i1 to i32
        %cond3A_221 = arith.constant 0 : i32
        %cond3A_222 = arith.cmpi ne, %convert_element_type3A_220, %cond3A_221 : i32
        scf.if %cond3A_222 {
          %sub3A = arith.constant 6 : i32
          %sub3A_235 = arith.subi %add3A_199, %sub3A : i32
          %mul3A_236 = arith.constant 128 : i32
          %mul3A_237 = arith.muli %sub3A_235, %mul3A_236 : i32
          %add3A_238 = arith.addi %mul3A_2, %mul3A_237 : i32
          %dma_wait3A_239 = arith.constant 0 : i32
          %dma_wait3A_240 = arith.constant 0 : i32
          %dma_wait3A_241 = tpu.memref_slice %arg6[%select_n3A_218, %dma_wait3A_239, %dma_wait3A_240] : memref<6x128x128xf32, #tpu.memory_space<vmem>> -> memref<1x128x128xf32, #tpu.memory_space<vmem>>
          %dma_wait3A_242 = tpu.memref_squeeze %dma_wait3A_241 : memref<1x128x128xf32, #tpu.memory_space<vmem>> -> memref<128x128xf32, #tpu.memory_space<vmem>>
          %dma_wait3A_243 = arith.constant 0 : i32
          %dma_wait3A_244 = tpu.memref_slice %arg4[%add3A_238, %dma_wait3A_243] : memref<204800x128xf32, #tpu.memory_space<hbm>> -> memref<128x128xf32, #tpu.memory_space<hbm>>
          %dma_wait3A_245 = tpu.memref_slice %arg8[%select_n3A_218] : memref<6x!tpu.dma_semaphore, #tpu.memory_space<semaphore_mem>> -> memref<1x!tpu.dma_semaphore, #tpu.memory_space<semaphore_mem>>
          %dma_wait3A_246 = tpu.memref_squeeze %dma_wait3A_245 : memref<1x!tpu.dma_semaphore, #tpu.memory_space<semaphore_mem>> -> memref<!tpu.dma_semaphore, #tpu.memory_space<semaphore_mem>>
          %dma_wait3A_247 = arith.constant 0 : i32
          %dma_wait3A_248 = tpu.memref_slice %arg4[%add3A_238, %dma_wait3A_247] : memref<204800x128xf32, #tpu.memory_space<hbm>> -> memref<128x128xf32, #tpu.memory_space<hbm>>
          %dma_wait3A_249 = arith.constant 0 : i32
          %dma_wait3A_250 = arith.constant 0 : i32
          %dma_wait3A_251 = tpu.memref_slice %arg6[%select_n3A_218, %dma_wait3A_249, %dma_wait3A_250] : memref<6x128x128xf32, #tpu.memory_space<vmem>> -> memref<1x128x128xf32, #tpu.memory_space<vmem>>
          %dma_wait3A_252 = tpu.memref_squeeze %dma_wait3A_251 : memref<1x128x128xf32, #tpu.memory_space<vmem>> -> memref<128x128xf32, #tpu.memory_space<vmem>>
          tpu.wait_dma2 semaphore(%dma_wait3A_246 : memref<!tpu.dma_semaphore, #tpu.memory_space<semaphore_mem>>) src(%dma_wait3A_252 : memref<128x128xf32, #tpu.memory_space<vmem>>) dst(%dma_wait3A_248 : memref<128x128xf32, #tpu.memory_space<hbm>>)
        } else {
        }
        %dma_start3A_223 = arith.constant 0 : i32
        %dma_start3A_224 = arith.constant 0 : i32
        %dma_start3A_225 = tpu.memref_slice %arg6[%select_n3A_218, %dma_start3A_223, %dma_start3A_224] : memref<6x128x128xf32, #tpu.memory_space<vmem>> -> memref<1x128x128xf32, #tpu.memory_space<vmem>>
        %dma_start3A_226 = tpu.memref_squeeze %dma_start3A_225 : memref<1x128x128xf32, #tpu.memory_space<vmem>> -> memref<128x128xf32, #tpu.memory_space<vmem>>
        %dma_start3A_227 = arith.constant 0 : i32
        %dma_start3A_228 = tpu.memref_slice %arg5[%add3A_199, %dma_start3A_227] : memref<50x128xi32, #tpu.memory_space<vmem>> -> memref<1x128xi32, #tpu.memory_space<vmem>>
        %dma_start3A_229 = tpu.memref_squeeze %dma_start3A_228 : memref<1x128xi32, #tpu.memory_space<vmem>> -> memref<128xi32, #tpu.memory_space<vmem>>
        %dma_start3A_230 = arith.constant 0 : i32
        %dma_start3A_231 = arith.constant 0 : i32
        %dma_start3A_232 = tpu.memref_slice %arg3[%dma_start3A_230, %dma_start3A_231] : memref<100000x128xf32, #tpu.memory_space<hbm>> -> memref<100000x128xf32, #tpu.memory_space<hbm>>
        %dma_start3A_233 = tpu.memref_slice %arg7[%select_n3A_218] : memref<6x!tpu.dma_semaphore, #tpu.memory_space<semaphore_mem>> -> memref<1x!tpu.dma_semaphore, #tpu.memory_space<semaphore_mem>>
        %dma_start3A_234 = tpu.memref_squeeze %dma_start3A_233 : memref<1x!tpu.dma_semaphore, #tpu.memory_space<semaphore_mem>> -> memref<!tpu.dma_semaphore, #tpu.memory_space<semaphore_mem>>
        tpu.enqueue_indirect_dma source(%dma_start3A_232 : memref<100000x128xf32, #tpu.memory_space<hbm>>) target(%dma_start3A_226 : memref<128x128xf32, #tpu.memory_space<vmem>>) offsets(%dma_start3A_229 : memref<128xi32, #tpu.memory_space<vmem>>) semaphore(%dma_start3A_234 : memref<!tpu.dma_semaphore, #tpu.memory_space<semaphore_mem>>)
      } else {
      }
    }
    %scan3A_51 = arith.constant 50 : i32
    %add3A_52 = arith.constant 5632 : i32
    %add3A_53 = arith.addi %mul3A_2, %add3A_52 : i32
    %dma_wait3A = arith.constant 2 : i32
    %dma_wait3A_54 = arith.constant 2 : i32
    %dma_wait3A_55 = arith.constant 0 : i32
    %dma_wait3A_56 = arith.constant 0 : i32
    %dma_wait3A_57 = tpu.memref_slice %arg6[%dma_wait3A, %dma_wait3A_55, %dma_wait3A_56] : memref<6x128x128xf32, #tpu.memory_space<vmem>> -> memref<1x128x128xf32, #tpu.memory_space<vmem>>
    %dma_wait3A_58 = tpu.memref_squeeze %dma_wait3A_57 : memref<1x128x128xf32, #tpu.memory_space<vmem>> -> memref<128x128xf32, #tpu.memory_space<vmem>>
    %dma_wait3A_59 = arith.constant 0 : i32
    %dma_wait3A_60 = tpu.memref_slice %arg4[%add3A_53, %dma_wait3A_59] : memref<204800x128xf32, #tpu.memory_space<hbm>> -> memref<128x128xf32, #tpu.memory_space<hbm>>
    %dma_wait3A_61 = tpu.memref_slice %arg8[%dma_wait3A_54] : memref<6x!tpu.dma_semaphore, #tpu.memory_space<semaphore_mem>> -> memref<1x!tpu.dma_semaphore, #tpu.memory_space<semaphore_mem>>
    %dma_wait3A_62 = tpu.memref_squeeze %dma_wait3A_61 : memref<1x!tpu.dma_semaphore, #tpu.memory_space<semaphore_mem>> -> memref<!tpu.dma_semaphore, #tpu.memory_space<semaphore_mem>>
    %dma_wait3A_63 = arith.constant 0 : i32
    %dma_wait3A_64 = tpu.memref_slice %arg4[%add3A_53, %dma_wait3A_63] : memref<204800x128xf32, #tpu.memory_space<hbm>> -> memref<128x128xf32, #tpu.memory_space<hbm>>
    %dma_wait3A_65 = arith.constant 0 : i32
    %dma_wait3A_66 = arith.constant 0 : i32
    %dma_wait3A_67 = tpu.memref_slice %arg6[%dma_wait3A, %dma_wait3A_65, %dma_wait3A_66] : memref<6x128x128xf32, #tpu.memory_space<vmem>> -> memref<1x128x128xf32, #tpu.memory_space<vmem>>
    %dma_wait3A_68 = tpu.memref_squeeze %dma_wait3A_67 : memref<1x128x128xf32, #tpu.memory_space<vmem>> -> memref<128x128xf32, #tpu.memory_space<vmem>>
    tpu.wait_dma2 semaphore(%dma_wait3A_62 : memref<!tpu.dma_semaphore, #tpu.memory_space<semaphore_mem>>) src(%dma_wait3A_68 : memref<128x128xf32, #tpu.memory_space<vmem>>) dst(%dma_wait3A_64 : memref<128x128xf32, #tpu.memory_space<hbm>>)
    %add3A_69 = arith.constant 5760 : i32
    %add3A_70 = arith.addi %mul3A_2, %add3A_69 : i32
    %dma_wait3A_71 = arith.constant 3 : i32
    %dma_wait3A_72 = arith.constant 3 : i32
    %dma_wait3A_73 = arith.constant 0 : i32
    %dma_wait3A_74 = arith.constant 0 : i32
    %dma_wait3A_75 = tpu.memref_slice %arg6[%dma_wait3A_71, %dma_wait3A_73, %dma_wait3A_74] : memref<6x128x128xf32, #tpu.memory_space<vmem>> -> memref<1x128x128xf32, #tpu.memory_space<vmem>>
    %dma_wait3A_76 = tpu.memref_squeeze %dma_wait3A_75 : memref<1x128x128xf32, #tpu.memory_space<vmem>> -> memref<128x128xf32, #tpu.memory_space<vmem>>
    %dma_wait3A_77 = arith.constant 0 : i32
    %dma_wait3A_78 = tpu.memref_slice %arg4[%add3A_70, %dma_wait3A_77] : memref<204800x128xf32, #tpu.memory_space<hbm>> -> memref<128x128xf32, #tpu.memory_space<hbm>>
    %dma_wait3A_79 = tpu.memref_slice %arg8[%dma_wait3A_72] : memref<6x!tpu.dma_semaphore, #tpu.memory_space<semaphore_mem>> -> memref<1x!tpu.dma_semaphore, #tpu.memory_space<semaphore_mem>>
    %dma_wait3A_80 = tpu.memref_squeeze %dma_wait3A_79 : memref<1x!tpu.dma_semaphore, #tpu.memory_space<semaphore_mem>> -> memref<!tpu.dma_semaphore, #tpu.memory_space<semaphore_mem>>
    %dma_wait3A_81 = arith.constant 0 : i32
    %dma_wait3A_82 = tpu.memref_slice %arg4[%add3A_70, %dma_wait3A_81] : memref<204800x128xf32, #tpu.memory_space<hbm>> -> memref<128x128xf32, #tpu.memory_space<hbm>>
    %dma_wait3A_83 = arith.constant 0 : i32
    %dma_wait3A_84 = arith.constant 0 : i32
    %dma_wait3A_85 = tpu.memref_slice %arg6[%dma_wait3A_71, %dma_wait3A_83, %dma_wait3A_84] : memref<6x128x128xf32, #tpu.memory_space<vmem>> -> memref<1x128x128xf32, #tpu.memory_space<vmem>>
    %dma_wait3A_86 = tpu.memref_squeeze %dma_wait3A_85 : memref<1x128x128xf32, #tpu.memory_space<vmem>> -> memref<128x128xf32, #tpu.memory_space<vmem>>
    tpu.wait_dma2 semaphore(%dma_wait3A_80 : memref<!tpu.dma_semaphore, #tpu.memory_space<semaphore_mem>>) src(%dma_wait3A_86 : memref<128x128xf32, #tpu.memory_space<vmem>>) dst(%dma_wait3A_82 : memref<128x128xf32, #tpu.memory_space<hbm>>)
    %add3A_87 = arith.constant 5888 : i32
    %add3A_88 = arith.addi %mul3A_2, %add3A_87 : i32
    %dma_wait3A_89 = arith.constant 4 : i32
    %dma_wait3A_90 = arith.constant 4 : i32
    %dma_wait3A_91 = arith.constant 0 : i32
    %dma_wait3A_92 = arith.constant 0 : i32
    %dma_wait3A_93 = tpu.memref_slice %arg6[%dma_wait3A_89, %dma_wait3A_91, %dma_wait3A_92] : memref<6x128x128xf32, #tpu.memory_space<vmem>> -> memref<1x128x128xf32, #tpu.memory_space<vmem>>
    %dma_wait3A_94 = tpu.memref_squeeze %dma_wait3A_93 : memref<1x128x128xf32, #tpu.memory_space<vmem>> -> memref<128x128xf32, #tpu.memory_space<vmem>>
    %dma_wait3A_95 = arith.constant 0 : i32
    %dma_wait3A_96 = tpu.memref_slice %arg4[%add3A_88, %dma_wait3A_95] : memref<204800x128xf32, #tpu.memory_space<hbm>> -> memref<128x128xf32, #tpu.memory_space<hbm>>
    %dma_wait3A_97 = tpu.memref_slice %arg8[%dma_wait3A_90] : memref<6x!tpu.dma_semaphore, #tpu.memory_space<semaphore_mem>> -> memref<1x!tpu.dma_semaphore, #tpu.memory_space<semaphore_mem>>
    %dma_wait3A_98 = tpu.memref_squeeze %dma_wait3A_97 : memref<1x!tpu.dma_semaphore, #tpu.memory_space<semaphore_mem>> -> memref<!tpu.dma_semaphore, #tpu.memory_space<semaphore_mem>>
    %dma_wait3A_99 = arith.constant 0 : i32
    %dma_wait3A_100 = tpu.memref_slice %arg4[%add3A_88, %dma_wait3A_99] : memref<204800x128xf32, #tpu.memory_space<hbm>> -> memref<128x128xf32, #tpu.memory_space<hbm>>
    %dma_wait3A_101 = arith.constant 0 : i32
    %dma_wait3A_102 = arith.constant 0 : i32
    %dma_wait3A_103 = tpu.memref_slice %arg6[%dma_wait3A_89, %dma_wait3A_101, %dma_wait3A_102] : memref<6x128x128xf32, #tpu.memory_space<vmem>> -> memref<1x128x128xf32, #tpu.memory_space<vmem>>
    %dma_wait3A_104 = tpu.memref_squeeze %dma_wait3A_103 : memref<1x128x128xf32, #tpu.memory_space<vmem>> -> memref<128x128xf32, #tpu.memory_space<vmem>>
    tpu.wait_dma2 semaphore(%dma_wait3A_98 : memref<!tpu.dma_semaphore, #tpu.memory_space<semaphore_mem>>) src(%dma_wait3A_104 : memref<128x128xf32, #tpu.memory_space<vmem>>) dst(%dma_wait3A_100 : memref<128x128xf32, #tpu.memory_space<hbm>>)
    %add3A_105 = arith.constant 6016 : i32
    %add3A_106 = arith.addi %mul3A_2, %add3A_105 : i32
    %dma_wait3A_107 = arith.constant 5 : i32
    %dma_wait3A_108 = arith.constant 5 : i32
    %dma_wait3A_109 = arith.constant 0 : i32
    %dma_wait3A_110 = arith.constant 0 : i32
    %dma_wait3A_111 = tpu.memref_slice %arg6[%dma_wait3A_107, %dma_wait3A_109, %dma_wait3A_110] : memref<6x128x128xf32, #tpu.memory_space<vmem>> -> memref<1x128x128xf32, #tpu.memory_space<vmem>>
    %dma_wait3A_112 = tpu.memref_squeeze %dma_wait3A_111 : memref<1x128x128xf32, #tpu.memory_space<vmem>> -> memref<128x128xf32, #tpu.memory_space<vmem>>
    %dma_wait3A_113 = arith.constant 0 : i32
    %dma_wait3A_114 = tpu.memref_slice %arg4[%add3A_106, %dma_wait3A_113] : memref<204800x128xf32, #tpu.memory_space<hbm>> -> memref<128x128xf32, #tpu.memory_space<hbm>>
    %dma_wait3A_115 = tpu.memref_slice %arg8[%dma_wait3A_108] : memref<6x!tpu.dma_semaphore, #tpu.memory_space<semaphore_mem>> -> memref<1x!tpu.dma_semaphore, #tpu.memory_space<semaphore_mem>>
    %dma_wait3A_116 = tpu.memref_squeeze %dma_wait3A_115 : memref<1x!tpu.dma_semaphore, #tpu.memory_space<semaphore_mem>> -> memref<!tpu.dma_semaphore, #tpu.memory_space<semaphore_mem>>
    %dma_wait3A_117 = arith.constant 0 : i32
    %dma_wait3A_118 = tpu.memref_slice %arg4[%add3A_106, %dma_wait3A_117] : memref<204800x128xf32, #tpu.memory_space<hbm>> -> memref<128x128xf32, #tpu.memory_space<hbm>>
    %dma_wait3A_119 = arith.constant 0 : i32
    %dma_wait3A_120 = arith.constant 0 : i32
    %dma_wait3A_121 = tpu.memref_slice %arg6[%dma_wait3A_107, %dma_wait3A_119, %dma_wait3A_120] : memref<6x128x128xf32, #tpu.memory_space<vmem>> -> memref<1x128x128xf32, #tpu.memory_space<vmem>>
    %dma_wait3A_122 = tpu.memref_squeeze %dma_wait3A_121 : memref<1x128x128xf32, #tpu.memory_space<vmem>> -> memref<128x128xf32, #tpu.memory_space<vmem>>
    tpu.wait_dma2 semaphore(%dma_wait3A_116 : memref<!tpu.dma_semaphore, #tpu.memory_space<semaphore_mem>>) src(%dma_wait3A_122 : memref<128x128xf32, #tpu.memory_space<vmem>>) dst(%dma_wait3A_118 : memref<128x128xf32, #tpu.memory_space<hbm>>)
    %add3A_123 = arith.constant 6144 : i32
    %add3A_124 = arith.addi %mul3A_2, %add3A_123 : i32
    %dma_wait3A_125 = arith.constant 0 : i32
    %dma_wait3A_126 = arith.constant 0 : i32
    %dma_wait3A_127 = arith.constant 0 : i32
    %dma_wait3A_128 = arith.constant 0 : i32
    %dma_wait3A_129 = tpu.memref_slice %arg6[%dma_wait3A_125, %dma_wait3A_127, %dma_wait3A_128] : memref<6x128x128xf32, #tpu.memory_space<vmem>> -> memref<1x128x128xf32, #tpu.memory_space<vmem>>
    %dma_wait3A_130 = tpu.memref_squeeze %dma_wait3A_129 : memref<1x128x128xf32, #tpu.memory_space<vmem>> -> memref<128x128xf32, #tpu.memory_space<vmem>>
    %dma_wait3A_131 = arith.constant 0 : i32
    %dma_wait3A_132 = tpu.memref_slice %arg4[%add3A_124, %dma_wait3A_131] : memref<204800x128xf32, #tpu.memory_space<hbm>> -> memref<128x128xf32, #tpu.memory_space<hbm>>
    %dma_wait3A_133 = tpu.memref_slice %arg8[%dma_wait3A_126] : memref<6x!tpu.dma_semaphore, #tpu.memory_space<semaphore_mem>> -> memref<1x!tpu.dma_semaphore, #tpu.memory_space<semaphore_mem>>
    %dma_wait3A_134 = tpu.memref_squeeze %dma_wait3A_133 : memref<1x!tpu.dma_semaphore, #tpu.memory_space<semaphore_mem>> -> memref<!tpu.dma_semaphore, #tpu.memory_space<semaphore_mem>>
    %dma_wait3A_135 = arith.constant 0 : i32
    %dma_wait3A_136 = tpu.memref_slice %arg4[%add3A_124, %dma_wait3A_135] : memref<204800x128xf32, #tpu.memory_space<hbm>> -> memref<128x128xf32, #tpu.memory_space<hbm>>
    %dma_wait3A_137 = arith.constant 0 : i32
    %dma_wait3A_138 = arith.constant 0 : i32
    %dma_wait3A_139 = tpu.memref_slice %arg6[%dma_wait3A_125, %dma_wait3A_137, %dma_wait3A_138] : memref<6x128x128xf32, #tpu.memory_space<vmem>> -> memref<1x128x128xf32, #tpu.memory_space<vmem>>
    %dma_wait3A_140 = tpu.memref_squeeze %dma_wait3A_139 : memref<1x128x128xf32, #tpu.memory_space<vmem>> -> memref<128x128xf32, #tpu.memory_space<vmem>>
    tpu.wait_dma2 semaphore(%dma_wait3A_134 : memref<!tpu.dma_semaphore, #tpu.memory_space<semaphore_mem>>) src(%dma_wait3A_140 : memref<128x128xf32, #tpu.memory_space<vmem>>) dst(%dma_wait3A_136 : memref<128x128xf32, #tpu.memory_space<hbm>>)
    %add3A_141 = arith.constant 6272 : i32
    %add3A_142 = arith.addi %mul3A_2, %add3A_141 : i32
    %dma_wait3A_143 = arith.constant 1 : i32
    %dma_wait3A_144 = arith.constant 1 : i32
    %dma_wait3A_145 = arith.constant 0 : i32
    %dma_wait3A_146 = arith.constant 0 : i32
    %dma_wait3A_147 = tpu.memref_slice %arg6[%dma_wait3A_143, %dma_wait3A_145, %dma_wait3A_146] : memref<6x128x128xf32, #tpu.memory_space<vmem>> -> memref<1x128x128xf32, #tpu.memory_space<vmem>>
    %dma_wait3A_148 = tpu.memref_squeeze %dma_wait3A_147 : memref<1x128x128xf32, #tpu.memory_space<vmem>> -> memref<128x128xf32, #tpu.memory_space<vmem>>
    %dma_wait3A_149 = arith.constant 0 : i32
    %dma_wait3A_150 = tpu.memref_slice %arg4[%add3A_142, %dma_wait3A_149] : memref<204800x128xf32, #tpu.memory_space<hbm>> -> memref<128x128xf32, #tpu.memory_space<hbm>>
    %dma_wait3A_151 = tpu.memref_slice %arg8[%dma_wait3A_144] : memref<6x!tpu.dma_semaphore, #tpu.memory_space<semaphore_mem>> -> memref<1x!tpu.dma_semaphore, #tpu.memory_space<semaphore_mem>>
    %dma_wait3A_152 = tpu.memref_squeeze %dma_wait3A_151 : memref<1x!tpu.dma_semaphore, #tpu.memory_space<semaphore_mem>> -> memref<!tpu.dma_semaphore, #tpu.memory_space<semaphore_mem>>
    %dma_wait3A_153 = arith.constant 0 : i32
    %dma_wait3A_154 = tpu.memref_slice %arg4[%add3A_142, %dma_wait3A_153] : memref<204800x128xf32, #tpu.memory_space<hbm>> -> memref<128x128xf32, #tpu.memory_space<hbm>>
    %dma_wait3A_155 = arith.constant 0 : i32
    %dma_wait3A_156 = arith.constant 0 : i32
    %dma_wait3A_157 = tpu.memref_slice %arg6[%dma_wait3A_143, %dma_wait3A_155, %dma_wait3A_156] : memref<6x128x128xf32, #tpu.memory_space<vmem>> -> memref<1x128x128xf32, #tpu.memory_space<vmem>>
    %dma_wait3A_158 = tpu.memref_squeeze %dma_wait3A_157 : memref<1x128x128xf32, #tpu.memory_space<vmem>> -> memref<128x128xf32, #tpu.memory_space<vmem>>
    tpu.wait_dma2 semaphore(%dma_wait3A_152 : memref<!tpu.dma_semaphore, #tpu.memory_space<semaphore_mem>>) src(%dma_wait3A_158 : memref<128x128xf32, #tpu.memory_space<vmem>>) dst(%dma_wait3A_154 : memref<128x128xf32, #tpu.memory_space<hbm>>)
    return
  }
}

</mosaic_0001>

<sc_bundles>
// kernel: kernel.3.cloned.1.call-start
scs
__scs_entry_jumppad:
0x0: {  	(pc) =	sbr.rel $0x88, $3  }
0x1: {  	(tag) =	ssettag $0x0;
	lr =	simm.s32 $0x1  }
0x2: {  	[smem:$0x3F9F] =	sst lr;
	_ =	strace $0xD0000000  }
0x3: {  	_ = 	snop  }
0x4: {  	_ = 	snop  }
0x5: {  	_ = 	snop  }
0x6: {  	_ = 	snop  }
0x7: {  	_ = 	snop  }
__scs_overlays_trampoline_lowered:
0x8: {  	[smem:$0x3FAE] =	sst s0  }
0x9: {  	[smem:$0x3FAF] =	sst s1  }
0xa: {  	[smem:$0x3FB0] =	sst s2  }
0xb: {  	[smem:$0x3FB1] =	sst s3  }
0xc: {  	[smem:$0x3FB2] =	sst s4  }
0xd: {  	[smem:$0x3FB3] =	sst s5  }
0xe: {  	[smem:$0x3FB4] =	sst s6  }
0xf: {  	[smem:$0x3FB5] =	sst s7  }
0x10: {  	[smem:$0x3FB6] =	sst s8  }
0x11: {  	[smem:$0x3FB7] =	sst s9;
	s0 =	simm.s32 @!p0 $0x0  }
0x12: {  	s1 =	sld [smem:$0x3F9D];
	s0 =	simm.s32 @p0 $0x1  }
0x13: {  	[smem:$0x3FB8] =	sst s0;
	s0 =	simm.s32 @!p1 $0x0  }
0x14: {  	s2 =	sld [smem:$0x3F9C];
	s0 =	simm.s32 @p1 $0x1  }
0x15: {  	[smem:$0x3FB9] =	sst s0;
	s0 =	simm.s32 @!p2 $0x0  }
0x16: {  	s3 =	sld [smem:$0x3FDB];
	s0 =	simm.s32 @p2 $0x1  }
0x17: {  	s4 =	simm.s32 $0x1BF5;
	[smem:$0x3FBB] =	sst s0  }
0x18: {  	s0 =	sld [smem:$0x3F9E];
	_ =	swait.ge [sflag:s4], $0x0  }
0x19: {  	s7 =	sld [smem:$0x3F9F]  }
0x1a: {  	s8 =	sadd.s32 $0xFFFFE003, lr  }
0x1b: {  	s9 =	sadd.s32 $0xFFFFFEF7, lr;
	s5 =	simm.s32 $0xFFFFFFFF;
	p2 =	slt.u32 s8, $0xFFFFF086  }
0x1c: {  	p1 =	slt.u32 s9, $0xF7A;
	s5 =	simm.s32 @!p2 $0x0  }
0x1d: {  	s5 =	simm.s32 @p1 $0x1;
	p0 =	seq.s32 s7, s2  }
0x1e: {  	s7 =	smul.u32 @!p0 $0xF7A, s2;
	p2 =	seq.s32 @!p0 s5, $0x0  }
0x1f: {  	s9 =	smul.u32 $0xF7A, s1;
	s8 =	simm.s32 @!p0 $0x1BF5;
	p2 =	por !p2, p0  }
0x20: {  	[sflag:s8] =	ssyncset.s32 @!p0 $0xFFFFF086;
	s6 =	sadd.s32 @!p0 s3, s7;
	s7 =	simm.s32 @!p0 $0x108  }
0x21: {  	s3 =	sadd.s32 s3, s9;
	s6 =	sadd.s32 @!p0 $0x88, s6;
	s7 =	simm.s32 @p2 $0x1082  }
0x22: {  	[simem:s7], [sflag:s8] =	dma.local @!p0 [hbm:s6], $0xF7A  }
0x23: {  	s9 =	sor.u32 $0xD0000000, s2;
	s6 =	simm.s32 $0x108;
	_ =	swait.ge @!p0 [sflag:s8], $0x0  }
0x24: {  	s3 =	sadd.s32 $0x88, s3;
	s6 =	simm.s32 @!p1 $0x1082;
	[sflag:s4] =	ssyncset.s32 $0xFFFFF086  }
0x25: {  	[simem:s6], [sflag:s4] =	dma.local [hbm:s3], $0xF7A  }
0x26: {  	[smem:$0x3F9F] =	sst s1;
	(tag) =	ssettag s2;
	_ =	strace s9  }
0x27: {  	s1 =	sld [smem:$0x3FAF]  }
0x28: {  	s2 =	sld [smem:$0x3FB0]  }
0x29: {  	s4 =	sld [smem:$0x3FB2]  }
0x2a: {  	p0 =	seq.s32 s5, $0x0;
	s5 =	sld [smem:$0x3FB3]  }
0x2b: {  	s6 =	sld [smem:$0x3FB4]  }
0x2c: {  	s7 =	sld [smem:$0x3FB5]  }
0x2d: {  	s3 =	simm.s32 $0x108;
	s8 =	sld [smem:$0x3FB6]  }
0x2e: {  	s3 =	simm.s32 @!p0 $0x1082;
	s9 =	sld [smem:$0x3FB7]  }
0x2f: {  	lr =	sadd.s32 s0, s3;
	s0 =	sld [smem:$0x3FAE]  }
0x30: {  	s3 =	sld [smem:$0x3FB1]  }
0x31: {  	[smem:$0x3FBA] =	sst s10  }
0x32: {  	s10 =	sld [smem:$0x3FB8];
	_ =	sdelay $0x3  }
0x33: {  	p0 =	seq.s32 s10, $0x1;
	s10 =	sld [smem:$0x3FBA];
	_ =	sdelay $0x3  }
0x34: {  	[smem:$0x3FBA] =	sst s10  }
0x35: {  	s10 =	sld [smem:$0x3FB9];
	_ =	sdelay $0x3  }
0x36: {  	p1 =	seq.s32 s10, $0x1;
	s10 =	sld [smem:$0x3FBA];
	_ =	sdelay $0x3  }
0x37: {  	[smem:$0x3FBA] =	sst s10  }
0x38: {  	s10 =	sld [smem:$0x3FBB]  }
0x39: {  	_ = 	snop;
	(pc) =	sbr.ind lr, $3  }
0x3a: {  	_ = 	snop  }
0x3b: {  	_ = 	snop  }
0x3c: {  	p2 =	seq.s32 s10, $0x1;
	s10 =	sld [smem:$0x3FBA]  }
0x3d: {  	_ =	shalt  }
0x3e: {  	_ =	shalt  }
0x3f: {  	_ =	shalt  }
0x40: {  	_ =	shalt  }
0x41: {  	_ =	shalt  }
0x42: {  	_ =	shalt  }
0x43: {  	_ =	shalt  }
0x44: {  	_ =	shalt  }
0x45: {  	_ =	shalt  }
0x46: {  	_ =	shalt  }
0x47: {  	_ =	shalt  }
0x48: {  	_ =	shalt  }
0x49: {  	_ =	shalt  }
0x4a: {  	_ =	shalt  }
0x4b: {  	_ =	shalt  }
0x4c: {  	_ =	shalt  }
0x4d: {  	_ =	shalt  }
0x4e: {  	_ =	shalt  }
0x4f: {  	_ =	shalt  }
0x50: {  	_ =	shalt  }
0x51: {  	_ =	shalt  }
0x52: {  	_ =	shalt  }
0x53: {  	_ =	shalt  }
0x54: {  	_ =	shalt  }
0x55: {  	_ =	shalt  }
0x56: {  	_ =	shalt  }
0x57: {  	_ =	shalt  }
0x58: {  	_ =	shalt  }
0x59: {  	_ =	shalt  }
0x5a: {  	_ =	shalt  }
0x5b: {  	_ =	shalt  }
0x5c: {  	_ =	shalt  }
0x5d: {  	_ =	shalt  }
0x5e: {  	_ =	shalt  }
0x5f: {  	_ =	shalt  }
0x60: {  	_ =	shalt  }
0x61: {  	_ =	shalt  }
0x62: {  	_ =	shalt  }
0x63: {  	_ =	shalt  }
0x64: {  	_ =	shalt  }
0x65: {  	_ =	shalt  }
0x66: {  	_ =	shalt  }
0x67: {  	_ =	shalt  }
0x68: {  	_ =	shalt  }
0x69: {  	_ =	shalt  }
0x6a: {  	_ =	shalt  }
0x6b: {  	_ =	shalt  }
0x6c: {  	_ =	shalt  }
0x6d: {  	_ =	shalt  }
0x6e: {  	_ =	shalt  }
0x6f: {  	_ =	shalt  }
0x70: {  	_ =	shalt  }
0x71: {  	_ =	shalt  }
0x72: {  	_ =	shalt  }
0x73: {  	_ =	shalt  }
0x74: {  	_ =	shalt  }
0x75: {  	_ =	shalt  }
0x76: {  	_ =	shalt  }
0x77: {  	_ =	shalt  }
0x78: {  	_ =	shalt  }
0x79: {  	_ =	shalt  }
0x7a: {  	_ =	shalt  }
0x7b: {  	_ =	shalt  }
0x7c: {  	_ =	shalt  }
0x7d: {  	_ =	shalt  }
0x7e: {  	_ =	shalt  }
0x7f: {  	_ =	shalt  }
0x80: {  	_ =	shalt  }
0x81: {  	_ =	shalt  }
0x82: {  	_ =	shalt  }
0x83: {  	_ =	shalt  }
0x84: {  	_ =	shalt  }
0x85: {  	_ =	shalt  }
0x86: {  	_ =	shalt  }
0x87: {  	_ =	shalt  }
.Lfunc_end0:
.L_simem_size_0:
called_computation_lowered:
.L_overlay_start_0:
0x88: {  	s2 =	sld [smem:$0x3FD9]  }
0x89: {  	s3 =	sld [smem:$0x3FFE];
	_ =	sdelay $0x1  }
0x8a: {  	s1 =	srdreg.scid  }
0x8b: {  	s0 =	sand.u32 $0x1, s1  }
0x8c: {  	s17 =	sshll.u32 s0, $0xA;
	s2 =	sadd.s32 s3, s2  }
0x8d: {  	s2 =	sadd.s32 s2, s17  }
0x8e: {  	[smem:$0x3FC6] =	sst s2  }
0x8f: {  	_ = 	snop  }
0x90: {  	s2 =	sld [smem:$0x3FC8]  }
0x91: {  	s18 =	sld [smem:$0x3FD0];
	(tm) =	ssettm $0x1  }
0x92: {  	s4 =	sld [smem:$0x3FFB];
	_ =	sdelay $0x3  }
0x93: {  	_ =	strace s4  }
0x94: {  	s4 =	sld [smem:$0x3FFC];
	_ =	sdelay $0x3  }
0x95: {  	_ =	strace s4  }
0x96: {  	s4 =	sld [smem:$0x3FFD];
	_ =	sdelay $0x3  }
0x97: {  	_ =	strace s4  }
0x98: {  	_ =	strace $0x8FFFFFFF  }
0x99: {  	s19 =	sld [smem:$0x3FDB];
	_ =	sdelay $0x1  }
0x9a: {  	s5 =	simm.s32 $_scs_section_size  }
0x9b: {  	s6 =	simm.s32 $_size__tile_overlayer_lowered;
	s7 =	simm.s32 $_tile_overlayer_lowered  }
0x9c: {  	s22 =	simm.s32 $0x1BFF;
	s21 =	sshll.u32 s7, $0x1;
	s4 =	sadd.s32 s5, s19  }
0x9d: {  	s8 =	simm.s32 $0x0;
	s20 =	sshll.u32 s6, $0x1;
	s6 =	sadd.s32 s21, s4  }
0x9e: {  	[timem:s8], [sflag:s22] =	dma.local [hbm:s6], s20  }
0x9f: {  	_ =	swait.ge [sflag:s22], s20  }
0xa0: {  	s5 =	ssub.s32 $0x0, s20;
	[sflag:s22] =	ssyncset.done $0x0  }
0xa1: {  	[sflag:s22] =	ssyncadd.s32 s5;
	_ =	sdelay $0x1  }
0xa2: {  	s23 =	simm.s32 $0x1B8B  }
0xa3: {  	_ =	swait.ge [sflag:s23], $0x1  }
0xa4: {  	[sflag:s23] =	ssyncset.done $0x0  }
0xa5: {  	s25 =	simm.s32 $0x1B8E;
	s24 =	sld [smem:$0x3FFE];
	[sflag:s23] =	ssyncadd.s32 $0xFFFFFFFF  }
0xa6: {  	s26 =	simm.s32 $execute0_lowered;
	[smem:$0x3FD2] =	sst s25  }
0xa7: {  	s6 =	sshll.u32 s26, $0x1;
	_ =	strace $0x80000046;
	[dreg:$0x1] =	wrdreg $0xFFFFFFFF  }
0xa8: {  	s28 =	simm.s32 $_size_execute0_lowered;
	s4 =	sadd.s32 s4, s6;
	[dreg:$0x0] =	wrdreg $0x0  }
0xa9: {  	s6 =	sshll.u32 s28, $0x1;
	[dreg:$0x2] =	wrdreg s4  }
0xaa: {  	[dreg:$0x3] =	wrdreg s6  }
0xab: {  	[dreg:$0x4] =	wrdreg $0xC0  }
0xac: {  	_ =	task [dreg:s8], $0x5FFFF  }
0xad: {  	[dreg:$0x1] =	wrdreg $0xFFFFFFFF  }
0xae: {  	[dreg:$0x0] =	wrdreg $0x60  }
0xaf: {  	[dreg:$0x2] =	wrdreg s24  }
0xb0: {  	[dreg:$0x3] =	wrdreg s2  }
0xb1: {  	[dreg:$0x4] =	wrdreg s18  }
0xb2: {  	[dreg:$0x5] =	wrdreg $0x9  }
0xb3: {  	_ =	task.clear_ibuf [dreg:s8], $0x6FFFF;
	_ =	strace $0x90000046  }
0xb4: {  	s29 =	simm.s32 $0x9;
	_ =	strace $0x80000048  }
0xb5: {  	_ =	swait.ge [sflag:s29], $0x1  }
0xb6: {  	[sflag:s29] =	ssyncadd.s32 $0xFFFFFFFF  }
0xb7: {  	_ =	strace $0x90000048  }
0xb8: {  	_ =	sfence  }
0xb9: {  	s30 =	sld [smem:$0x0];
	_ =	sdelay $0x2  }
0xba: {  	s31 =	sshll.u32 s1, $0xD;
	s1 =	sshrl.u32 s1, $0x2  }
0xbb: {  	s3 =	sand.u32 $0x4000, s31;
	s1 =	sadd.s32 s1, s30  }
0xbc: {  	s0 =	sor.u32 s3, s0;
	s1 =	sshll.u32 s1, $0x11  }
0xbd: {  	s0 =	sor.u32 s1, s0  }
0xbe: {  	s0 =	sadd.s32 $0x8F2B, s0  }
0xbf: {  	[sflag:s0] =	ssyncadd.remote.s32 $0x1  }
0xc0: {  	_ =	sfence.sel $0xFFFF  }
0xc1: {  	[dreg:$0x0] =	wrdreg $0xFFFFFFFF;
	(pc) =	sbr.abs _section_cstart, $3  }
0xc2: {  	[dreg:$0x1] =	wrdreg $0xFFFFFFFF  }
0xc3: {  	_ =	task.clear_ibuf [dreg:s8], $0x2FFFF;
	_ =	strace $0x9FFFFFFF  }
0xc4: {  	(tm) =	ssettm $0x7FFFFFFF  }
0xc5: {  	_ =	shalt  }
tec
execute0_lowered:
.L_overlay_start_1:
0x0: {  	(tag) =	ssettag $0x1  }
0x1: {  	s4 =	rddreg [dreg:$0x0]  }
0x2: {  	s1 =	srdreg.scid;
	s2 =	rddreg [dreg:$0x1]  }
0x3: {  	s0 =	stileid.u32;
	s6 =	rddreg [dreg:$0x2];
	s3 =	simm.s32 $0x0  }
0x4: {  	s10 =	simm.s32 $0x5C00;
	s11 =	simm.s32 $0x100;
	s12 =	simm.s32 $0x9C00  }
0x5: {  	s13 =	simm.s32 $0x9;
	s14 =	simm.s32 $0xA;
	s15 =	simm.s32 $0xB  }
0x6: {  	s16 =	simm.s32 $0xC;
	s17 =	simm.s32 $0x7;
	s18 =	simm.s32 $0x8  }
0x7: {  	s5 =	sand.u32 $0x1, s1;
	s29 =	sshll.u32 s0, $0x1;
	s8 =	smul.u32 $0x190000, s0  }
0x8: {  	s19 =	simm.s32 $0x0;
	s1 =	sor.u32 s5, s29;
	s9 =	smul.u32 $0xC8000, s5  }
0x9: {  	[smem:$0x7FF] =	sst s3;
	s5 =	ssub.s32 $0x2, s5;
	s7 =	smul.u32 $0x380, s1  }
0xa: {  	_ =	strace $0x80000047;
	s30 =	sshrl.u32 s5, $0x1;
	s8 =	sadd.s32 s9, s8  }
0xb: {  	s5 =	ssub.s32 s5, s30;
	s9 =	simm.s32 $0x1C00;
	s4 =	sadd.s32 s7, s4  }
0xc: {  	s31 =	sshrl.u32 s8, $0x3;
	s5 =	smax.u32 s5, $0x1;
	s7 =	simm.s32 $0xD  }
0xd: {  	s8 =	simm.s32 $0x80;
	s4 =	sadd.s32 $0x400, s4;
	s6 =	sadd.s32 s31, s6  }
.LBB2_1:
0xe: {  	[tilespmem:s3], [sflag:$0xD] =	stream.linear.gather [hbm4b:s4+s3], $0x1900, $0x38;
	[tilespmem:$0x19C00] =	vst v63  }
0xf: {  	s20 =	smul.u32 $0xAB, s3  }
0x10: {  	p1 =	por $0x0, $0x0;
	_ =	swait.ge [sflag:s7], $0x1900  }
0x11: {  	s21 =	simm.s32 $0x3;
	[sflag:s7] =	ssyncset.done $0x0;
	s20 =	sshrl.u32 s20, $0xA  }
0x12: {  	s21 =	smul.u32 @!p1 $0xAB, s21;
	[sflag:s7] =	ssyncadd.s32 $0xFFFFE700;
	s20 =	sand.u32 $0x3F, s20  }
0x13: {  	[tilespmem:s9], [sflag:$0x1] =	stream.indirect.gather [hbm4b:s2+s8], $0x80, s3, s8, $0xb8;
	[tilespmem:$0x19C00] =	vst v63  }
0x14: {  	s23 =	simm.s32 $0x180;
	s22 =	simm.s32 $0x1;
	s20 =	smul.u32 $0x6, s20  }
0x15: {  	[tilespmem:s10], [sflag:$0x2] =	stream.indirect.gather [hbm4b:s2+s8], $0x80, s8, s8, $0xb8;
	[tilespmem:$0x19C00] =	vst v63  }
0x16: {  	s24 =	simm.s32 $0x2;
	p0 =	por p1, p1;
	s20 =	ssub.s32 $0x0, s20  }
0x17: {  	p1 =	por @!p1 $0x1, $0x1;
	s25 =	sand.u32 $0xFF, s20;
	s20 =	sshrl.u32 @!p0 s21, $0xA  }
0x18: {  	[tilespmem:s12], [sflag:$0x3] =	stream.indirect.gather [hbm4b:s2+s8], $0x80, s11, s8, $0xb8;
	[tilespmem:$0x19C00] =	vst v63  }
0x19: {  	s30 =	smul.u32 $0xAB, s22;
	s26 =	sadd.s32 $0x1, s25;
	s20 =	sand.u32 @!p0 $0x3F, s20  }
0x1a: {  	p2 =	por p1, p0;
	s29 =	smul.u32 @!p0 $0x6, s20;
	_ =	swait.ge [sflag:s26], $0x4000  }
0x1b: {  	s28 =	sshll.u32 s25, $0xE;
	s25 =	sadd.s32 $0x7, s25;
	[sflag:s26] =	ssyncset.done $0x0  }
0x1c: {  	s28 =	sor.u32 $0x1C00, s28;
	s29 =	ssub.s32 @!p0 $0x3, s29;
	[sflag:s26] =	ssyncadd.s32 $0xFFFFC000  }
0x1d: {  	[hbm4b:s6+s3] =	stream.linear.scatter [tilespmem:s28], [sflag:s25], $0x4000, $0x38;
	[tilespmem:$0x19C00] =	vst v63  }
0x1e: {  	s21 =	sadd.s32 $0x800, s6;
	s20 =	simm.s32 $0x200;
	s29 =	sand.u32 @!p0 $0xFF, s29  }
0x1f: {  	s25 =	simm.s32 @!p0 $0x80;
	s26 =	sadd.s32 @!p2 $0x7, s29;
	s28 =	sshll.u32 @!p0 s29, $0xE  }
.LBB2_2:
0x20: {  	p3 =	sgt.u32 s22, $0x2E;
	_ =	swait.ge @!p2 [sflag:s26], $0x4000  }
0x21: {  	s29 =	sadd.s32 @!p0 $0x1, s29;
	s31 =	smov.u32 s24;
	s1 =	smov.u32 s21  }
0x22: {  	s0 =	sadd.s32 $0x3, s22;
	s30 =	sshrl.u32 s30, $0xA;
	[sflag:s26] =	ssyncset.done @!p2 $0x0  }
0x23: {  	s30 =	sand.u32 $0x3F, s30;
	[sflag:s26] =	ssyncadd.s32 @!p2 $0xFFFFC000;
	s26 =	sor.u32 @!p0 $0x1C00, s28  }
0x24: {  	[tilespmem:s26], [sflag:s29] =	stream.indirect.gather @!p0 [hbm4b:s2+s25], $0x80, s23, s25, $0xb8;
	[tilespmem:$0x19C00] =	vst v63  }
0x25: {  	s24 =	sadd.s32 $0x1, s24;
	p2 =	slt.u32 @!p3 s22, $0x3;
	s25 =	smul.u32 $0x6, s30  }
0x26: {  	p1 =	sne.s32 s24, $0x32;
	s26 =	smul.u32 @!p3 $0xAB, s0;
	s23 =	smov.u32 s20  }
0x27: {  	p0 =	por p3, p3;
	s25 =	ssub.s32 s22, s25;
	s22 =	smov.u32 s31  }
0x28: {  	s21 =	sadd.s32 $0x800, s21;
	s26 =	sshrl.u32 @!p0 s26, $0xA;
	s25 =	sand.u32 $0xFF, s25  }
0x29: {  	s26 =	sand.u32 @!p0 $0x3F, s26;
	s28 =	sadd.s32 $0x1, s25;
	s29 =	sshll.u32 s25, $0xE  }
0x2a: {  	s20 =	sadd.s32 $0x80, s20;
	s26 =	smul.u32 @!p0 $0x6, s26;
	s30 =	sadd.s32 $0x7, s25  }
.Ltmp0:
0x2b: {  	s25 =	simm.s32 @!p0 $0x80;
	_ =	swait.ge [sflag:s28], $0x4000;
	(pc) =	sbr.rel @p1 .LBB2_2-.Ltmp0, $4  }
0x2c: {  	s31 =	sor.u32 $0x1C00, s29;
	s0 =	ssub.s32 @!p0 s0, s26;
	[sflag:s28] =	ssyncset.done $0x0  }
0x2d: {  	p2 =	por p2, p0;
	s29 =	sand.u32 @!p0 $0xFF, s0;
	[sflag:s28] =	ssyncadd.s32 $0xFFFFC000  }
0x2e: {  	[hbm4b:s1+s3] =	stream.linear.scatter [tilespmem:s31], [sflag:s30], $0x4000, $0x38;
	[tilespmem:$0x19C00] =	vst v63  }
0x2f: {  	s26 =	sadd.s32 @!p2 $0x7, s29;
	s28 =	sshll.u32 @!p0 s29, $0xE;
	s30 =	smul.u32 $0xAB, s22  }
0x30: {  	_ =	swait.ge @!p2 [sflag:s26], $0x4000  }
0x31: {  	s0 =	sadd.s32 @!p0 $0x1, s29;
	s1 =	sshrl.u32 s30, $0xA;
	[sflag:s26] =	ssyncset.done @!p2 $0x0  }
0x32: {  	s24 =	sor.u32 @!p0 $0x1C00, s28;
	s1 =	sand.u32 $0x3F, s1;
	[sflag:s26] =	ssyncadd.s32 @!p2 $0xFFFFC000  }
0x33: {  	[tilespmem:s24], [sflag:s0] =	stream.indirect.gather @!p0 [hbm4b:s2+s25], $0x80, s23, s25, $0xb8;
	[tilespmem:$0x19C00] =	vst v63  }
0x34: {  	p1 =	sgt.u32 s22, $0x2E;
	s0 =	sadd.s32 $0x3, s22;
	s1 =	smul.u32 $0x6, s1  }
0x35: {  	s23 =	smul.u32 @!p1 $0xAB, s0  }
0x36: {  	p0 =	por p1, p1  }
0x37: {  	s1 =	ssub.s32 s22, s1;
	s23 =	sshrl.u32 @!p0 s23, $0xA  }
0x38: {  	s1 =	sand.u32 $0xFF, s1;
	s23 =	sand.u32 @!p0 $0x3F, s23  }
0x39: {  	p1 =	slt.u32 @!p1 s22, $0x3;
	s30 =	sadd.s32 $0x1, s1;
	s23 =	smul.u32 @!p0 $0x6, s23  }
0x3a: {  	p1 =	por p1, p0;
	s31 =	sshll.u32 s1, $0xE;
	_ =	swait.ge [sflag:s30], $0x4000  }
0x3b: {  	s1 =	sadd.s32 $0x7, s1;
	[sflag:s30] =	ssyncset.done $0x0;
	s0 =	ssub.s32 @!p0 s0, s23  }
0x3c: {  	s24 =	sor.u32 $0x1C00, s31;
	[sflag:s30] =	ssyncadd.s32 $0xFFFFC000;
	s0 =	sand.u32 @!p0 $0xFF, s0  }
0x3d: {  	[hbm4b:s21+s3] =	stream.linear.scatter [tilespmem:s24], [sflag:s1], $0x4000, $0x38;
	[tilespmem:$0x19C00] =	vst v63  }
0x3e: {  	s1 =	sadd.s32 @!p1 $0x7, s0  }
0x3f: {  	_ =	swait.ge @!p1 [sflag:s1], $0x4000  }
0x40: {  	s21 =	simm.s32 @!p0 $0x80;
	s22 =	sshll.u32 @!p0 s0, $0xE;
	[sflag:s1] =	ssyncset.done @!p1 $0x0  }
0x41: {  	s0 =	sadd.s32 @!p0 $0x1, s0;
	[sflag:s1] =	ssyncadd.s32 @!p1 $0xFFFFC000;
	s1 =	sor.u32 @!p0 $0x1C00, s22  }
0x42: {  	[tilespmem:s1], [sflag:s0] =	stream.indirect.gather @!p0 [hbm4b:s2+s21], $0x80, s20, s21, $0xb8;
	[tilespmem:$0x19C00] =	vst v63  }
0x43: {  	_ =	swait.ge [sflag:s13], $0x4000  }
0x44: {  	[sflag:s13] =	ssyncset.done $0x0  }
0x45: {  	[sflag:s13] =	ssyncadd.s32 $0xFFFFC000  }
0x46: {  	_ =	swait.ge [sflag:s14], $0x4000  }
0x47: {  	[sflag:s14] =	ssyncset.done $0x0  }
0x48: {  	[sflag:s14] =	ssyncadd.s32 $0xFFFFC000  }
0x49: {  	_ =	swait.ge [sflag:s15], $0x4000  }
0x4a: {  	[sflag:s15] =	ssyncset.done $0x0  }
0x4b: {  	[sflag:s15] =	ssyncadd.s32 $0xFFFFC000  }
0x4c: {  	_ =	swait.ge [sflag:s16], $0x4000  }
0x4d: {  	[sflag:s16] =	ssyncset.done $0x0  }
0x4e: {  	s19 =	sadd.s32 $0x1, s19;
	[sflag:s16] =	ssyncadd.s32 $0xFFFFC000  }
0x4f: {  	p0 =	sne.s32 s19, s5;
	_ =	swait.ge [sflag:s17], $0x4000  }
.Ltmp1:
0x50: {  	[sflag:s17] =	ssyncset.done $0x0;
	(pc) =	sbr.rel @p0 .LBB2_1-.Ltmp1, $4  }
0x51: {  	[sflag:s17] =	ssyncadd.s32 $0xFFFFC000  }
0x52: {  	_ =	swait.ge [sflag:s18], $0x4000  }
0x53: {  	[sflag:s18] =	ssyncset.done $0x0  }
0x54: {  	[sflag:s18] =	ssyncadd.s32 $0xFFFFC000  }
0x55: {  	_ =	sfence.sel $0x180000  }
0x56: {  	[bflag:$0x0] =	sbarrier.arrive $0xFFFF  }
0x57: {  	_ =	strace $0x90000047  }
0x58: {  	s0 =	stileid.u32;
	[bflag:$0x2] =	sbarrier.arrive $0xFFFF  }
0x59: {  	p0 =	sne.s32 s0, $0x0;
	s0 =	rddreg [dreg:$0x3]  }
0x5a: {  	s0 =	sadd.s32 @!p0 $0x100000, s0  }
0x5b: {  	[sflag:s0] =	ssyncadd.tile.s32 @!p0 $0x1;
	_ =	shalt  }
.Lfunc_end2:
_tile_overlayer_lowered:
.L_overlay_start_2:
0x5c: {  	(tag) =	ssettag $0x2  }
0x5d: {  	s0 =	rddreg [dreg:$0x0];
	s2 =	stileid.u32  }
0x5e: {  	s1 =	rddreg [dreg:$0x1];
	p0 =	sne.s32 s2, $0x0  }
0x5f: {  	s3 =	rddreg [dreg:$0x2];
	[bflag:$0x3] =	sbarrier.arrive $0xFFFF;
	s2 =	simm.s32 @!p0 $0x1C0D  }
0x60: {  	[timem:s3], [sflag:s2] =	dma.local @!p0 [hbm:s0], s1  }
0x61: {  	s0 =	simm.s32 @!p0 $0xD  }
0x62: {  	_ =	swait.ge @!p0 [sflag:s0], s1  }
0x63: {  	s1 =	ssub.s32 @!p0 $0x0, s1;
	[sflag:s0] =	ssyncset.done @!p0 $0x0  }
0x64: {  	[sflag:s0] =	ssyncadd.s32 @!p0 s1  }
0x65: {  	[bflag:$0x3] =	sbarrier.arrive $0xFFFF  }
0x66: {  	_ =	shalt  }

</sc_bundles>
